<compile_context>
chip_gen: v7x
topology: tpu7x:2x2x1
jax: 0.10.2.dev20260603
libtpu: 0.0.44.dev20260713+nightly
codegen_flags: <defaults>
</compile_context>

<pallas_src>
import functools

import jax
import jax.numpy as jnp
from jax.experimental import pallas as pl
from jax.experimental.pallas import tpu as pltpu

TOKENS = 2048
F = 768
E = 16
K = 4
H = 3072
SH = 6144
A = TOKENS * K
BT = 128
P = 10240
NT = P // BT
TT = 256
NTT = TOKENS // TT
PC = 2048
NPC = P // PC


def _front_kernel(x_ref, w0_ref, b0_ref, wg_ref, bg_ref, wu_ref, bu_ref,
                  wgate_ref, h_ref, tw_ref, ti_ref):
    f32 = jnp.float32
    x = x_ref[...]
    h0 = jax.lax.dot_general(x, w0_ref[...], (((1,), (1,)), ((), ())),
                             preferred_element_type=f32) + b0_ref[...][None, :]
    g = jax.lax.dot_general(h0, wg_ref[...], (((1,), (1,)), ((), ())),
                            preferred_element_type=f32) + bg_ref[...][None, :]
    u = jax.lax.dot_general(h0, wu_ref[...], (((1,), (1,)), ((), ())),
                            preferred_element_type=f32) + bu_ref[...][None, :]
    h = (g * jax.nn.sigmoid(g)) * u
    h_ref[...] = h
    logits = jax.lax.dot_general(h, wgate_ref[...], (((1,), (1,)), ((), ())),
                                 preferred_element_type=f32)
    m = jnp.max(logits, axis=-1, keepdims=True)
    p = jnp.exp(logits - m)
    p = p / jnp.sum(p, axis=-1, keepdims=True)
    cols = jax.lax.broadcasted_iota(jnp.int32, p.shape, 1)
    tws, tis = [], []
    for _ in range(K):
        mx = jnp.max(p, axis=-1, keepdims=True)
        idx = jnp.min(jnp.where(p == mx, cols, E), axis=-1, keepdims=True)
        tws.append(mx)
        tis.append(idx)
        p = jnp.where(cols == idx, -1.0, p)
    tw_ref[...] = jnp.concatenate(tws, axis=-1)
    ti_ref[...] = jnp.concatenate(tis, axis=-1)


def _expert_kernel(te_ref, tok_ref, h_ref, w1_ref, w3_ref, w2_ref, rows_ref):
    del te_ref
    f32 = jnp.float32
    tok = tok_ref[0, 0, :]
    colt = jax.lax.broadcasted_iota(jnp.int32, (BT, TOKENS), 1)
    onehot = (tok[:, None] == colt).astype(jnp.bfloat16)
    hs = jnp.dot(onehot, h_ref[...], preferred_element_type=f32)
    hs = hs.astype(jnp.bfloat16)
    g = jax.lax.dot_general(hs, w1_ref[0], (((1,), (1,)), ((), ())),
                            preferred_element_type=f32)
    u = jax.lax.dot_general(hs, w3_ref[0], (((1,), (1,)), ((), ())),
                            preferred_element_type=f32)
    a = ((g * jax.nn.sigmoid(g)) * u).astype(jnp.bfloat16)
    rows_ref[...] = jax.lax.dot_general(
        a, w2_ref[0], (((1,), (1,)), ((), ())),
        preferred_element_type=f32).astype(jnp.bfloat16)


def _combine_kernel(pos_ref, tw_ref, rows_ref, y_ref):
    j = pl.program_id(1)

    @pl.when(j == 0)
    def _():
        y_ref[...] = jnp.zeros_like(y_ref)

    base = j * PC
    iota = jax.lax.broadcasted_iota(jnp.int32, (TT, PC), 1) + base
    m = jnp.zeros((TT, PC), jnp.float32)
    for k in range(K):
        pk = pos_ref[:, k][:, None]
        wk = tw_ref[:, k][:, None]
        m = m + jnp.where(pk == iota, wk, 0.0)
    y_ref[...] += jnp.dot(m.astype(jnp.bfloat16), rows_ref[...],
                          preferred_element_type=jnp.float32)


def _shared_kernel(h_ref, w1_ref, w3_ref, w2_ref, y_ref, out_ref):
    f32 = jnp.float32
    h = h_ref[...]
    g = jax.lax.dot_general(h, w1_ref[...], (((1,), (1,)), ((), ())),
                            preferred_element_type=f32)
    u = jax.lax.dot_general(h, w3_ref[...], (((1,), (1,)), ((), ())),
                            preferred_element_type=f32)
    a = ((g * jax.nn.sigmoid(g)) * u).astype(jnp.bfloat16)
    out_ref[...] = y_ref[...] + jax.lax.dot_general(
        a, w2_ref[...], (((1,), (1,)), ((), ())),
        preferred_element_type=f32)


def kernel(x, W0, b0, Wg, bg, Wu, bu, Wgate, we1, we3, we2, ws1, ws3, ws2):
    f32, bf16, i32 = jnp.float32, jnp.bfloat16, jnp.int32

    h, tw, ti = pl.pallas_call(
        _front_kernel,
        grid=(NTT,),
        in_specs=[
            pl.BlockSpec((TT, F), lambda i: (i, 0)),
            pl.BlockSpec((F, F), lambda i: (0, 0)),
            pl.BlockSpec((F,), lambda i: (0,)),
            pl.BlockSpec((F, F), lambda i: (0, 0)),
            pl.BlockSpec((F,), lambda i: (0,)),
            pl.BlockSpec((F, F), lambda i: (0, 0)),
            pl.BlockSpec((F,), lambda i: (0,)),
            pl.BlockSpec((E, F), lambda i: (0, 0)),
        ],
        out_specs=[
            pl.BlockSpec((TT, F), lambda i: (i, 0)),
            pl.BlockSpec((TT, K), lambda i: (i, 0)),
            pl.BlockSpec((TT, K), lambda i: (i, 0)),
        ],
        out_shape=[
            jax.ShapeDtypeStruct((TOKENS, F), f32),
            jax.ShapeDtypeStruct((TOKENS, K), f32),
            jax.ShapeDtypeStruct((TOKENS, K), i32),
        ],
    )(x, W0, b0, Wg, bg, Wu, bu, Wgate)

    e_flat = ti.reshape(-1)
    order = jnp.argsort(e_flat, stable=True).astype(i32)
    c = jnp.bincount(e_flat, length=E).astype(i32)
    c_pad = ((c + BT - 1) // BT) * BT
    pstart = jnp.cumsum(c_pad) - c_pad
    sstart = jnp.cumsum(c) - c
    slots = jnp.arange(P, dtype=i32)
    e_of_slot = jnp.clip(
        jnp.searchsorted(pstart, slots, side='right').astype(i32) - 1, 0, E - 1)
    r = slots - pstart[e_of_slot]
    ce = c[e_of_slot]
    valid = r < ce
    src = sstart[e_of_slot] + jnp.minimum(r, jnp.maximum(ce - 1, 0))
    fa = order[src]
    tok_src = jnp.where(valid, fa // K, 0).astype(i32)
    pos = (jnp.zeros((A,), i32)
           .at[jnp.where(valid, fa, A)]
           .set(slots, mode='drop')
           .reshape(TOKENS, K))
    tile_expert = e_of_slot[::BT].astype(i32)
    tok_src3 = tok_src.reshape(NT, 1, BT)

    h_b = h.astype(bf16)
    we1_b, we3_b, we2_b = we1.astype(bf16), we3.astype(bf16), we2.astype(bf16)
    ws1_b, ws3_b, ws2_b = ws1.astype(bf16), ws3.astype(bf16), ws2.astype(bf16)

    rows = pl.pallas_call(
        _expert_kernel,
        grid_spec=pltpu.PrefetchScalarGridSpec(
            num_scalar_prefetch=1,
            grid=(NT,),
            in_specs=[
                pl.BlockSpec((1, 1, BT), lambda i, te: (i, 0, 0)),
                pl.BlockSpec((TOKENS, F), lambda i, te: (0, 0)),
                pl.BlockSpec((1, H, F), lambda i, te: (te[i], 0, 0)),
                pl.BlockSpec((1, H, F), lambda i, te: (te[i], 0, 0)),
                pl.BlockSpec((1, F, H), lambda i, te: (te[i], 0, 0)),
            ],
            out_specs=pl.BlockSpec((BT, F), lambda i, te: (i, 0)),
        ),
        out_shape=jax.ShapeDtypeStruct((P, F), bf16),
    )(tile_expert, tok_src3, h_b, we1_b, we3_b, we2_b)

    y = pl.pallas_call(
        _combine_kernel,
        grid=(NTT, NPC),
        in_specs=[
            pl.BlockSpec((TT, K), lambda i, j: (i, 0)),
            pl.BlockSpec((TT, K), lambda i, j: (i, 0)),
            pl.BlockSpec((PC, F), lambda i, j: (j, 0)),
        ],
        out_specs=pl.BlockSpec((TT, F), lambda i, j: (i, 0)),
        out_shape=jax.ShapeDtypeStruct((TOKENS, F), f32),
    )(pos, tw, rows)

    return (tile_expert, tok_src3, pos, tw)
    out = pl.pallas_call(
        _shared_kernel,
        grid=(NTT,),
        in_specs=[
            pl.BlockSpec((TT, F), lambda i: (i, 0)),
            pl.BlockSpec((SH, F), lambda i: (0, 0)),
            pl.BlockSpec((SH, F), lambda i: (0, 0)),
            pl.BlockSpec((F, SH), lambda i: (0, 0)),
            pl.BlockSpec((TT, F), lambda i: (i, 0)),
        ],
        out_specs=pl.BlockSpec((TT, F), lambda i: (i, 0)),
        out_shape=jax.ShapeDtypeStruct((TOKENS, F), f32),
    )(h_b, ws1_b, ws3_b, ws2_b, y)

    return out

# --- scband reference (transcript-rebuilt; emitter-appended) ---
"""Pipeline reference for scband-mo-eff-7404523618551 (READ-ONLY COPY).

The authoritative reference and input builder live on the scoring server;
editing this copy changes nothing except your own understanding.
"""

import jax, jax.numpy as jnp
import numpy as np

IN_F = 768
OUT_F = 768
E = 16
TOPK = 4
HIDDEN = 4 * OUT_F
SHARED_HIDDEN = HIDDEN * 2
TOKENS = 2048
SCALE = 1.0

def _lin(key, out_d, in_d, bias=True):
    bound = 1.0 / np.sqrt(in_d)
    k1, k2 = jax.random.split(key)
    W = jax.random.uniform(k1, (out_d, in_d), jnp.float32, -bound, bound)
    if bias:
        b = jax.random.uniform(k2, (out_d,), jnp.float32, -bound, bound)
        return W, b
    return W, None

def setup_inputs(seed: int = 0):
    key = jax.random.key(seed)
    ks = jax.random.split(key, 12)
    d = {}
    d["x"] = jax.random.normal(ks[0], (TOKENS, IN_F), jnp.float32)
    d["W0"], d["b0"] = _lin(ks[1], OUT_F, IN_F)
    d["Wg"], d["bg"] = _lin(ks[2], OUT_F, OUT_F)
    d["Wu"], d["bu"] = _lin(ks[3], OUT_F, OUT_F)
    d["Wgate"], _ = _lin(ks[4], E, OUT_F, bias=False)
    bd = 1.0 / np.sqrt(OUT_F)
    d["we1"] = jax.random.uniform(ks[5], (E, HIDDEN, OUT_F), jnp.float32, -bd, bd)
    d["we3"] = jax.random.uniform(ks[6], (E, HIDDEN, OUT_F), jnp.float32, -bd, bd)
    bh = 1.0 / np.sqrt(HIDDEN)
    d["we2"] = jax.random.uniform(ks[7], (E, OUT_F, HIDDEN), jnp.float32, -bh, bh)
    d["ws1"] = jax.random.uniform(ks[8], (SHARED_HIDDEN, OUT_F), jnp.float32, -bd, bd)
    d["ws3"] = jax.random.uniform(ks[9], (SHARED_HIDDEN, OUT_F), jnp.float32, -bd, bd)
    bs = 1.0 / np.sqrt(SHARED_HIDDEN)
    d["ws2"] = jax.random.uniform(ks[10], (OUT_F, SHARED_HIDDEN), jnp.float32, -bs, bs)
    return d

def reference(x, W0, b0, Wg, bg, Wu, bu, Wgate, we1, we3, we2, ws1, ws3, ws2):
    # Linear(in_features, out_features)
    h = x @ W0.T + b0
    # SwiGLU(out_features): silu(W_g h + b_g) * (W_u h + b_u), dim-preserving
    h = jax.nn.silu(h @ Wg.T + bg) * (h @ Wu.T + bu)
    # MoE gate: softmax scores, greedy top-4 (routed_scaling_factor = 1)
    scores = jax.nn.softmax(h @ Wgate.T, axis=-1)
    topk_w, topk_idx = jax.lax.top_k(scores, TOPK)
    y = jnp.zeros_like(h)
    for e in range(E):
        w_tok = jnp.sum(jnp.where(topk_idx == e, topk_w, 0.0), axis=-1)
        oe = (jax.nn.silu(h @ we1[e].T) * (h @ we3[e].T)) @ we2[e].T
        y = y + w_tok[:, None] * oe
    # n_shared_experts = 2 -> one shared SwiGLU MLP with 2x hidden
    shared = (jax.nn.silu(h @ ws1.T) * (h @ ws3.T)) @ ws2.T
    return y * SCALE + shared

if __name__ == "__main__":
    import jax
    _d = setup_inputs()
    print(jax.jit(kernel)(*tuple(_d.values())))

</pallas_src>

<mosaic_0001>
module attributes {stable_mosaic.version = 14 : i64} {
  func.func @_front_kernel(%arg0: i32, %arg1: memref<256x768xf32, #tpu.memory_space<vmem>>, %arg2: memref<768x768xf32, #tpu.memory_space<vmem>>, %arg3: memref<768xf32, #tpu.memory_space<vmem>>, %arg4: memref<768x768xf32, #tpu.memory_space<vmem>>, %arg5: memref<768xf32, #tpu.memory_space<vmem>>, %arg6: memref<768x768xf32, #tpu.memory_space<vmem>>, %arg7: memref<768xf32, #tpu.memory_space<vmem>>, %arg8: memref<16x768xf32, #tpu.memory_space<vmem>>, %arg9: memref<256x768xf32, #tpu.memory_space<vmem>>, %arg10: memref<256x4xf32, #tpu.memory_space<vmem>>, %arg11: memref<256x4xi32, #tpu.memory_space<vmem>>) attributes {dimension_semantics = [#tpu.dimension_semantics<arbitrary>], iteration_bounds = array<i64: 8>, scalar_prefetch = 0 : i64, scratch_operands = 0 : i64, tpu.core_type = #tpu.core_type<tc>, window_params = [{transform_indices = @transform_0, window_bounds = array<i64: 256, 768>}, {pipeline_mode = #tpu.pipeline_mode<synchronous>, transform_indices = @transform_1, window_bounds = array<i64: 768, 768>}, {pipeline_mode = #tpu.pipeline_mode<synchronous>, transform_indices = @transform_2, window_bounds = array<i64: 768>}, {pipeline_mode = #tpu.pipeline_mode<synchronous>, transform_indices = @transform_3, window_bounds = array<i64: 768, 768>}, {pipeline_mode = #tpu.pipeline_mode<synchronous>, transform_indices = @transform_4, window_bounds = array<i64: 768>}, {pipeline_mode = #tpu.pipeline_mode<synchronous>, transform_indices = @transform_5, window_bounds = array<i64: 768, 768>}, {pipeline_mode = #tpu.pipeline_mode<synchronous>, transform_indices = @transform_6, window_bounds = array<i64: 768>}, {pipeline_mode = #tpu.pipeline_mode<synchronous>, transform_indices = @transform_7, window_bounds = array<i64: 16, 768>}, {transform_indices = @transform_8, window_bounds = array<i64: 256, 768>}, {transform_indices = @transform_9, window_bounds = array<i64: 256, 4>}, {transform_indices = @transform_10, window_bounds = array<i64: 256, 4>}]} {
    %get3A = arith.constant 0 : index
    %get3A_0 = arith.constant 0 : index
    %get3A_1 = vector.load %arg1[%get3A, %get3A_0] : memref<256x768xf32, #tpu.memory_space<vmem>>, vector<256x768xf32>
    %get3A_2 = arith.constant 0 : index
    %get3A_3 = arith.constant 0 : index
    %get3A_4 = vector.load %arg2[%get3A_2, %get3A_3] : memref<768x768xf32, #tpu.memory_space<vmem>>, vector<768x768xf32>
    %dot_general3A = arith.constant dense<0.000000e+00> : vector<256x768xf32>
    %dot_general3A_5 = tpu.matmul %get3A_1, %get3A_4, %dot_general3A {dimension_numbers = #tpu.dot_dimension_numbers<[1], [1], [0], [0], [0, 0, 1, 0], [], []>, transpose_lhs_hint = false} : vector<256x768xf32>, vector<768x768xf32>, vector<256x768xf32> -> vector<256x768xf32>
    %get3A_6 = arith.constant 0 : index
    %get3A_7 = vector.load %arg3[%get3A_6] : memref<768xf32, #tpu.memory_space<vmem>>, vector<768xf32>
    %broadcast_in_dim3A = vector.shape_cast %get3A_7 : vector<768xf32> to vector<1x768xf32>
    %add3A = vector.broadcast %broadcast_in_dim3A : vector<1x768xf32> to vector<256x768xf32>
    %add3A_8 = arith.addf %dot_general3A_5, %add3A : vector<256x768xf32>
    %get3A_9 = arith.constant 0 : index
    %get3A_10 = arith.constant 0 : index
    %get3A_11 = vector.load %arg4[%get3A_9, %get3A_10] : memref<768x768xf32, #tpu.memory_space<vmem>>, vector<768x768xf32>
    %dot_general3A_12 = arith.constant dense<0.000000e+00> : vector<256x768xf32>
    %dot_general3A_13 = tpu.matmul %add3A_8, %get3A_11, %dot_general3A_12 {dimension_numbers = #tpu.dot_dimension_numbers<[1], [1], [0], [0], [0, 0, 1, 0], [], []>, transpose_lhs_hint = false} : vector<256x768xf32>, vector<768x768xf32>, vector<256x768xf32> -> vector<256x768xf32>
    %get3A_14 = arith.constant 0 : index
    %get3A_15 = vector.load %arg5[%get3A_14] : memref<768xf32, #tpu.memory_space<vmem>>, vector<768xf32>
    %broadcast_in_dim3A_16 = vector.shape_cast %get3A_15 : vector<768xf32> to vector<1x768xf32>
    %add3A_17 = vector.broadcast %broadcast_in_dim3A_16 : vector<1x768xf32> to vector<256x768xf32>
    %add3A_18 = arith.addf %dot_general3A_13, %add3A_17 : vector<256x768xf32>
    %get3A_19 = arith.constant 0 : index
    %get3A_20 = arith.constant 0 : index
    %get3A_21 = vector.load %arg6[%get3A_19, %get3A_20] : memref<768x768xf32, #tpu.memory_space<vmem>>, vector<768x768xf32>
    %dot_general3A_22 = arith.constant dense<0.000000e+00> : vector<256x768xf32>
    %dot_general3A_23 = tpu.matmul %add3A_8, %get3A_21, %dot_general3A_22 {dimension_numbers = #tpu.dot_dimension_numbers<[1], [1], [0], [0], [0, 0, 1, 0], [], []>, transpose_lhs_hint = false} : vector<256x768xf32>, vector<768x768xf32>, vector<256x768xf32> -> vector<256x768xf32>
    %get3A_24 = arith.constant 0 : index
    %get3A_25 = vector.load %arg7[%get3A_24] : memref<768xf32, #tpu.memory_space<vmem>>, vector<768xf32>
    %broadcast_in_dim3A_26 = vector.shape_cast %get3A_25 : vector<768xf32> to vector<1x768xf32>
    %add3A_27 = vector.broadcast %broadcast_in_dim3A_26 : vector<1x768xf32> to vector<256x768xf32>
    %add3A_28 = arith.addf %dot_general3A_23, %add3A_27 : vector<256x768xf32>
    %logistic3A = arith.negf %add3A_18 : vector<256x768xf32>
    %logistic3A_29 = math.exp %logistic3A : vector<256x768xf32>
    %logistic3A_30 = arith.constant 1.000000e+00 : f32
    %logistic3A_31 = vector.broadcast %logistic3A_30 : f32 to vector<256x768xf32>
    %logistic3A_32 = arith.addf %logistic3A_31, %logistic3A_29 : vector<256x768xf32>
    %logistic3A_33 = arith.divf %logistic3A_31, %logistic3A_32 : vector<256x768xf32>
    %mul3A = arith.mulf %add3A_18, %logistic3A_33 : vector<256x768xf32>
    %mul3A_34 = arith.mulf %mul3A, %add3A_28 : vector<256x768xf32>
    %swap3A = arith.constant 0 : index
    %swap3A_35 = arith.constant 0 : index
    %swap3A_36 = vector.load %arg9[%swap3A, %swap3A_35] : memref<256x768xf32, #tpu.memory_space<vmem>>, vector<256x768xf32>
    tpu.vector_store %arg9[%swap3A, %swap3A_35], %mul3A_34 {strides = array<i32>} : memref<256x768xf32, #tpu.memory_space<vmem>>, vector<256x768xf32>,
    %get3A_37 = arith.constant 0 : index
    %get3A_38 = arith.constant 0 : index
    %get3A_39 = vector.load %arg8[%get3A_37, %get3A_38] : memref<16x768xf32, #tpu.memory_space<vmem>>, vector<16x768xf32>
    %dot_general3A_40 = arith.constant dense<0.000000e+00> : vector<256x16xf32>
    %dot_general3A_41 = tpu.matmul %mul3A_34, %get3A_39, %dot_general3A_40 {dimension_numbers = #tpu.dot_dimension_numbers<[1], [1], [0], [0], [0, 0, 1, 0], [], []>, transpose_lhs_hint = false} : vector<256x768xf32>, vector<16x768xf32>, vector<256x16xf32> -> vector<256x16xf32>
    %reduce_max3A = arith.constant dense<0xFF800000> : vector<256xf32>
    %reduce_max3A_42 = vector.multi_reduction <maximumf>, %dot_general3A_41, %reduce_max3A [1] : vector<256x16xf32> to vector<256xf32>
    %broadcast_in_dim3A_43 = vector.shape_cast %reduce_max3A_42 : vector<256xf32> to vector<256x1xf32>
    %sub3A = vector.broadcast %broadcast_in_dim3A_43 : vector<256x1xf32> to vector<256x16xf32>
    %sub3A_44 = arith.subf %dot_general3A_41, %sub3A : vector<256x16xf32>
    %exp3A = math.exp %sub3A_44 : vector<256x16xf32>
    %reduce_sum3A = arith.constant dense<0.000000e+00> : vector<256xf32>
    %reduce_sum3A_45 = vector.multi_reduction <add>, %exp3A, %reduce_sum3A [1] : vector<256x16xf32> to vector<256xf32>
    %broadcast_in_dim3A_46 = vector.shape_cast %reduce_sum3A_45 : vector<256xf32> to vector<256x1xf32>
    %div3A = vector.broadcast %broadcast_in_dim3A_46 : vector<256x1xf32> to vector<256x16xf32>
    %div3A_47 = arith.divf %exp3A, %div3A : vector<256x16xf32>
    %iota3A = tpu.iota {dimensions = array<i32: 1>} : vector<256x16xi32>
    %reduce_max3A_48 = arith.constant dense<0xFF800000> : vector<256xf32>
    %reduce_max3A_49 = vector.multi_reduction <maximumf>, %div3A_47, %reduce_max3A_48 [1] : vector<256x16xf32> to vector<256xf32>
    %broadcast_in_dim3A_50 = vector.shape_cast %reduce_max3A_49 : vector<256xf32> to vector<256x1xf32>
    %eq3A = vector.broadcast %broadcast_in_dim3A_50 : vector<256x1xf32> to vector<256x16xf32>
    %eq3A_51 = arith.cmpf oeq, %div3A_47, %eq3A : vector<256x16xf32>
    %jit3A = arith.constant 16 : i32
    %broadcast_in_dim3A_52 = vector.broadcast %jit3A : i32 to vector<256x16xi32>
    %select_n3A = arith.select %eq3A_51, %iota3A, %broadcast_in_dim3A_52 : vector<256x16xi1>, vector<256x16xi32>
    %reduce_min3A = arith.constant dense<2147483647> : vector<256xi32>
    %reduce_min3A_53 = vector.multi_reduction <minsi>, %select_n3A, %reduce_min3A [1] : vector<256x16xi32> to vector<256xi32>
    %broadcast_in_dim3A_54 = vector.shape_cast %reduce_min3A_53 : vector<256xi32> to vector<256x1xi32>
    %eq3A_55 = vector.broadcast %broadcast_in_dim3A_54 : vector<256x1xi32> to vector<256x16xi32>
    %eq3A_56 = arith.cmpi eq, %iota3A, %eq3A_55 : vector<256x16xi32>
    %jit3A_57 = arith.constant -1.000000e+00 : f32
    %broadcast_in_dim3A_58 = vector.broadcast %jit3A_57 : f32 to vector<256x16xf32>
    %select_n3A_59 = arith.select %eq3A_56, %broadcast_in_dim3A_58, %div3A_47 : vector<256x16xi1>, vector<256x16xf32>
    %reduce_max3A_60 = arith.constant dense<0xFF800000> : vector<256xf32>
    %reduce_max3A_61 = vector.multi_reduction <maximumf>, %select_n3A_59, %reduce_max3A_60 [1] : vector<256x16xf32> to vector<256xf32>
    %broadcast_in_dim3A_62 = vector.shape_cast %reduce_max3A_61 : vector<256xf32> to vector<256x1xf32>
    %eq3A_63 = vector.broadcast %broadcast_in_dim3A_62 : vector<256x1xf32> to vector<256x16xf32>
    %eq3A_64 = arith.cmpf oeq, %select_n3A_59, %eq3A_63 : vector<256x16xf32>
    %jit3A_65 = arith.constant 16 : i32
    %broadcast_in_dim3A_66 = vector.broadcast %jit3A_65 : i32 to vector<256x16xi32>
    %select_n3A_67 = arith.select %eq3A_64, %iota3A, %broadcast_in_dim3A_66 : vector<256x16xi1>, vector<256x16xi32>
    %reduce_min3A_68 = arith.constant dense<2147483647> : vector<256xi32>
    %reduce_min3A_69 = vector.multi_reduction <minsi>, %select_n3A_67, %reduce_min3A_68 [1] : vector<256x16xi32> to vector<256xi32>
    %broadcast_in_dim3A_70 = vector.shape_cast %reduce_min3A_69 : vector<256xi32> to vector<256x1xi32>
    %eq3A_71 = vector.broadcast %broadcast_in_dim3A_70 : vector<256x1xi32> to vector<256x16xi32>
    %eq3A_72 = arith.cmpi eq, %iota3A, %eq3A_71 : vector<256x16xi32>
    %jit3A_73 = arith.constant -1.000000e+00 : f32
    %broadcast_in_dim3A_74 = vector.broadcast %jit3A_73 : f32 to vector<256x16xf32>
    %select_n3A_75 = arith.select %eq3A_72, %broadcast_in_dim3A_74, %select_n3A_59 : vector<256x16xi1>, vector<256x16xf32>
    %reduce_max3A_76 = arith.constant dense<0xFF800000> : vector<256xf32>
    %reduce_max3A_77 = vector.multi_reduction <maximumf>, %select_n3A_75, %reduce_max3A_76 [1] : vector<256x16xf32> to vector<256xf32>
    %broadcast_in_dim3A_78 = vector.shape_cast %reduce_max3A_77 : vector<256xf32> to vector<256x1xf32>
    %eq3A_79 = vector.broadcast %broadcast_in_dim3A_78 : vector<256x1xf32> to vector<256x16xf32>
    %eq3A_80 = arith.cmpf oeq, %select_n3A_75, %eq3A_79 : vector<256x16xf32>
    %jit3A_81 = arith.constant 16 : i32
    %broadcast_in_dim3A_82 = vector.broadcast %jit3A_81 : i32 to vector<256x16xi32>
    %select_n3A_83 = arith.select %eq3A_80, %iota3A, %broadcast_in_dim3A_82 : vector<256x16xi1>, vector<256x16xi32>
    %reduce_min3A_84 = arith.constant dense<2147483647> : vector<256xi32>
    %reduce_min3A_85 = vector.multi_reduction <minsi>, %select_n3A_83, %reduce_min3A_84 [1] : vector<256x16xi32> to vector<256xi32>
    %broadcast_in_dim3A_86 = vector.shape_cast %reduce_min3A_85 : vector<256xi32> to vector<256x1xi32>
    %eq3A_87 = vector.broadcast %broadcast_in_dim3A_86 : vector<256x1xi32> to vector<256x16xi32>
    %eq3A_88 = arith.cmpi eq, %iota3A, %eq3A_87 : vector<256x16xi32>
    %jit3A_89 = arith.constant -1.000000e+00 : f32
    %broadcast_in_dim3A_90 = vector.broadcast %jit3A_89 : f32 to vector<256x16xf32>
    %select_n3A_91 = arith.select %eq3A_88, %broadcast_in_dim3A_90, %select_n3A_75 : vector<256x16xi1>, vector<256x16xf32>
    %reduce_max3A_92 = arith.constant dense<0xFF800000> : vector<256xf32>
    %reduce_max3A_93 = vector.multi_reduction <maximumf>, %select_n3A_91, %reduce_max3A_92 [1] : vector<256x16xf32> to vector<256xf32>
    %broadcast_in_dim3A_94 = vector.shape_cast %reduce_max3A_93 : vector<256xf32> to vector<256x1xf32>
    %eq3A_95 = vector.broadcast %broadcast_in_dim3A_94 : vector<256x1xf32> to vector<256x16xf32>
    %eq3A_96 = arith.cmpf oeq, %select_n3A_91, %eq3A_95 : vector<256x16xf32>
    %jit3A_97 = arith.constant 16 : i32
    %broadcast_in_dim3A_98 = vector.broadcast %jit3A_97 : i32 to vector<256x16xi32>
    %select_n3A_99 = arith.select %eq3A_96, %iota3A, %broadcast_in_dim3A_98 : vector<256x16xi1>, vector<256x16xi32>
    %reduce_min3A_100 = arith.constant dense<2147483647> : vector<256xi32>
    %reduce_min3A_101 = vector.multi_reduction <minsi>, %select_n3A_99, %reduce_min3A_100 [1] : vector<256x16xi32> to vector<256xi32>
    %broadcast_in_dim3A_102 = vector.shape_cast %reduce_min3A_101 : vector<256xi32> to vector<256x1xi32>
    %concatenate3A = tpu.concatenate %broadcast_in_dim3A_50, %broadcast_in_dim3A_62, %broadcast_in_dim3A_78, %broadcast_in_dim3A_94 in 1 : vector<256x1xf32>, vector<256x1xf32>, vector<256x1xf32>, vector<256x1xf32> -> vector<256x4xf32>
    %swap3A_103 = arith.constant 0 : index
    %swap3A_104 = arith.constant 0 : index
    %swap3A_105 = vector.load %arg10[%swap3A_103, %swap3A_104] : memref<256x4xf32, #tpu.memory_space<vmem>>, vector<256x4xf32>
    tpu.vector_store %arg10[%swap3A_103, %swap3A_104], %concatenate3A {strides = array<i32>} : memref<256x4xf32, #tpu.memory_space<vmem>>, vector<256x4xf32>,
    %concatenate3A_106 = tpu.concatenate %broadcast_in_dim3A_54, %broadcast_in_dim3A_70, %broadcast_in_dim3A_86, %broadcast_in_dim3A_102 in 1 : vector<256x1xi32>, vector<256x1xi32>, vector<256x1xi32>, vector<256x1xi32> -> vector<256x4xi32>
    %swap3A_107 = arith.constant 0 : index
    %swap3A_108 = arith.constant 0 : index
    %swap3A_109 = vector.load %arg11[%swap3A_107, %swap3A_108] : memref<256x4xi32, #tpu.memory_space<vmem>>, vector<256x4xi32>
    tpu.vector_store %arg11[%swap3A_107, %swap3A_108], %concatenate3A_106 {strides = array<i32>} : memref<256x4xi32, #tpu.memory_space<vmem>>, vector<256x4xi32>,
    return
  }
  func.func @transform_0(%arg0: i32) -> (i32, i32) {
    %c0_i32 = arith.constant 0 : i32
    %c0_i32_0 = arith.constant 0 : i32
    return %arg0, %c0_i32 : i32, i32
  }
  func.func @transform_1(%arg0: i32) -> (i32, i32) {
    %c0_i32 = arith.constant 0 : i32
    %c0_i32_0 = arith.constant 0 : i32
    %c0_i32_1 = arith.constant 0 : i32
    return %c0_i32, %c0_i32_0 : i32, i32
  }
  func.func @transform_2(%arg0: i32) -> i32 {
    %c0_i32 = arith.constant 0 : i32
    %c0_i32_0 = arith.constant 0 : i32
    return %c0_i32 : i32
  }
  func.func @transform_3(%arg0: i32) -> (i32, i32) {
    %c0_i32 = arith.constant 0 : i32
    %c0_i32_0 = arith.constant 0 : i32
    %c0_i32_1 = arith.constant 0 : i32
    return %c0_i32, %c0_i32_0 : i32, i32
  }
  func.func @transform_4(%arg0: i32) -> i32 {
    %c0_i32 = arith.constant 0 : i32
    %c0_i32_0 = arith.constant 0 : i32
    return %c0_i32 : i32
  }
  func.func @transform_5(%arg0: i32) -> (i32, i32) {
    %c0_i32 = arith.constant 0 : i32
    %c0_i32_0 = arith.constant 0 : i32
    %c0_i32_1 = arith.constant 0 : i32
    return %c0_i32, %c0_i32_0 : i32, i32
  }
  func.func @transform_6(%arg0: i32) -> i32 {
    %c0_i32 = arith.constant 0 : i32
    %c0_i32_0 = arith.constant 0 : i32
    return %c0_i32 : i32
  }
  func.func @transform_7(%arg0: i32) -> (i32, i32) {
    %c0_i32 = arith.constant 0 : i32
    %c0_i32_0 = arith.constant 0 : i32
    %c0_i32_1 = arith.constant 0 : i32
    return %c0_i32, %c0_i32_0 : i32, i32
  }
  func.func @transform_8(%arg0: i32) -> (i32, i32) {
    %c0_i32 = arith.constant 0 : i32
    %c0_i32_0 = arith.constant 0 : i32
    return %arg0, %c0_i32 : i32, i32
  }
  func.func @transform_9(%arg0: i32) -> (i32, i32) {
    %c0_i32 = arith.constant 0 : i32
    %c0_i32_0 = arith.constant 0 : i32
    return %arg0, %c0_i32 : i32, i32
  }
  func.func @transform_10(%arg0: i32) -> (i32, i32) {
    %c0_i32 = arith.constant 0 : i32
    %c0_i32_0 = arith.constant 0 : i32
    return %arg0, %c0_i32 : i32, i32
  }
}

</mosaic_0001>

<sc_bundles>
// kernel: gather_offload_async_start
scs
__scs_entry_jumppad:
0x0: {  	(pc) =	sbr.rel $0x88, $3  }
0x1: {  	(tag) =	ssettag $0x0;
	lr =	simm.s32 $0x1  }
0x2: {  	[smem:$0x3F96] =	sst lr;
	_ =	strace $0xD0000000  }
0x3: {  	_ = 	snop  }
0x4: {  	_ = 	snop  }
0x5: {  	_ = 	snop  }
0x6: {  	_ = 	snop  }
0x7: {  	_ = 	snop  }
__scs_overlays_trampoline_lowered:
0x8: {  	[smem:$0x3FA5] =	sst s0  }
0x9: {  	[smem:$0x3FA6] =	sst s1  }
0xa: {  	[smem:$0x3FA7] =	sst s2  }
0xb: {  	[smem:$0x3FA8] =	sst s3  }
0xc: {  	[smem:$0x3FA9] =	sst s4  }
0xd: {  	[smem:$0x3FAA] =	sst s5  }
0xe: {  	[smem:$0x3FAB] =	sst s6  }
0xf: {  	[smem:$0x3FAC] =	sst s7  }
0x10: {  	[smem:$0x3FAD] =	sst s8  }
0x11: {  	[smem:$0x3FAE] =	sst s9;
	s0 =	simm.s32 @!p0 $0x0  }
0x12: {  	s1 =	sld [smem:$0x3F94];
	s0 =	simm.s32 @p0 $0x1  }
0x13: {  	[smem:$0x3FAF] =	sst s0;
	s0 =	simm.s32 @!p1 $0x0  }
0x14: {  	s2 =	sld [smem:$0x3F93];
	s0 =	simm.s32 @p1 $0x1  }
0x15: {  	[smem:$0x3FB0] =	sst s0;
	s0 =	simm.s32 @!p2 $0x0  }
0x16: {  	s3 =	sld [smem:$0x3FDB];
	s0 =	simm.s32 @p2 $0x1  }
0x17: {  	s4 =	simm.s32 $0x1BF5;
	[smem:$0x3FB2] =	sst s0  }
0x18: {  	s0 =	sld [smem:$0x3F95];
	_ =	swait.ge [sflag:s4], $0x0  }
0x19: {  	s7 =	sld [smem:$0x3F96]  }
0x1a: {  	s8 =	sadd.s32 $0xFFFFE003, lr  }
0x1b: {  	s9 =	sadd.s32 $0xFFFFFEF7, lr;
	s5 =	simm.s32 $0xFFFFFFFF;
	p2 =	slt.u32 s8, $0xFFFFF086  }
0x1c: {  	p1 =	slt.u32 s9, $0xF7A;
	s5 =	simm.s32 @!p2 $0x0  }
0x1d: {  	s5 =	simm.s32 @p1 $0x1;
	p0 =	seq.s32 s7, s2  }
0x1e: {  	s7 =	smul.u32 @!p0 $0xF7A, s2;
	p2 =	seq.s32 @!p0 s5, $0x0  }
0x1f: {  	s9 =	smul.u32 $0xF7A, s1;
	s8 =	simm.s32 @!p0 $0x1BF5;
	p2 =	por !p2, p0  }
0x20: {  	[sflag:s8] =	ssyncset.s32 @!p0 $0xFFFFF086;
	s6 =	sadd.s32 @!p0 s3, s7;
	s7 =	simm.s32 @!p0 $0x108  }
0x21: {  	s3 =	sadd.s32 s3, s9;
	s6 =	sadd.s32 @!p0 $0x88, s6;
	s7 =	simm.s32 @p2 $0x1082  }
0x22: {  	[simem:s7], [sflag:s8] =	dma.local @!p0 [hbm:s6], $0xF7A  }
0x23: {  	s9 =	sor.u32 $0xD0000000, s2;
	s6 =	simm.s32 $0x108;
	_ =	swait.ge @!p0 [sflag:s8], $0x0  }
0x24: {  	s3 =	sadd.s32 $0x88, s3;
	s6 =	simm.s32 @!p1 $0x1082;
	[sflag:s4] =	ssyncset.s32 $0xFFFFF086  }
0x25: {  	[simem:s6], [sflag:s4] =	dma.local [hbm:s3], $0xF7A  }
0x26: {  	[smem:$0x3F96] =	sst s1;
	(tag) =	ssettag s2;
	_ =	strace s9  }
0x27: {  	s1 =	sld [smem:$0x3FA6]  }
0x28: {  	s2 =	sld [smem:$0x3FA7]  }
0x29: {  	s4 =	sld [smem:$0x3FA9]  }
0x2a: {  	p0 =	seq.s32 s5, $0x0;
	s5 =	sld [smem:$0x3FAA]  }
0x2b: {  	s6 =	sld [smem:$0x3FAB]  }
0x2c: {  	s7 =	sld [smem:$0x3FAC]  }
0x2d: {  	s3 =	simm.s32 $0x108;
	s8 =	sld [smem:$0x3FAD]  }
0x2e: {  	s3 =	simm.s32 @!p0 $0x1082;
	s9 =	sld [smem:$0x3FAE]  }
0x2f: {  	lr =	sadd.s32 s0, s3;
	s0 =	sld [smem:$0x3FA5]  }
0x30: {  	s3 =	sld [smem:$0x3FA8]  }
0x31: {  	[smem:$0x3FB1] =	sst s10  }
0x32: {  	s10 =	sld [smem:$0x3FAF];
	_ =	sdelay $0x3  }
0x33: {  	p0 =	seq.s32 s10, $0x1;
	s10 =	sld [smem:$0x3FB1];
	_ =	sdelay $0x3  }
0x34: {  	[smem:$0x3FB1] =	sst s10  }
0x35: {  	s10 =	sld [smem:$0x3FB0];
	_ =	sdelay $0x3  }
0x36: {  	p1 =	seq.s32 s10, $0x1;
	s10 =	sld [smem:$0x3FB1];
	_ =	sdelay $0x3  }
0x37: {  	[smem:$0x3FB1] =	sst s10  }
0x38: {  	s10 =	sld [smem:$0x3FB2]  }
0x39: {  	_ = 	snop;
	(pc) =	sbr.ind lr, $3  }
0x3a: {  	_ = 	snop  }
0x3b: {  	_ = 	snop  }
0x3c: {  	p2 =	seq.s32 s10, $0x1;
	s10 =	sld [smem:$0x3FB1]  }
0x3d: {  	_ =	shalt  }
0x3e: {  	_ =	shalt  }
0x3f: {  	_ =	shalt  }
0x40: {  	_ =	shalt  }
0x41: {  	_ =	shalt  }
0x42: {  	_ =	shalt  }
0x43: {  	_ =	shalt  }
0x44: {  	_ =	shalt  }
0x45: {  	_ =	shalt  }
0x46: {  	_ =	shalt  }
0x47: {  	_ =	shalt  }
0x48: {  	_ =	shalt  }
0x49: {  	_ =	shalt  }
0x4a: {  	_ =	shalt  }
0x4b: {  	_ =	shalt  }
0x4c: {  	_ =	shalt  }
0x4d: {  	_ =	shalt  }
0x4e: {  	_ =	shalt  }
0x4f: {  	_ =	shalt  }
0x50: {  	_ =	shalt  }
0x51: {  	_ =	shalt  }
0x52: {  	_ =	shalt  }
0x53: {  	_ =	shalt  }
0x54: {  	_ =	shalt  }
0x55: {  	_ =	shalt  }
0x56: {  	_ =	shalt  }
0x57: {  	_ =	shalt  }
0x58: {  	_ =	shalt  }
0x59: {  	_ =	shalt  }
0x5a: {  	_ =	shalt  }
0x5b: {  	_ =	shalt  }
0x5c: {  	_ =	shalt  }
0x5d: {  	_ =	shalt  }
0x5e: {  	_ =	shalt  }
0x5f: {  	_ =	shalt  }
0x60: {  	_ =	shalt  }
0x61: {  	_ =	shalt  }
0x62: {  	_ =	shalt  }
0x63: {  	_ =	shalt  }
0x64: {  	_ =	shalt  }
0x65: {  	_ =	shalt  }
0x66: {  	_ =	shalt  }
0x67: {  	_ =	shalt  }
0x68: {  	_ =	shalt  }
0x69: {  	_ =	shalt  }
0x6a: {  	_ =	shalt  }
0x6b: {  	_ =	shalt  }
0x6c: {  	_ =	shalt  }
0x6d: {  	_ =	shalt  }
0x6e: {  	_ =	shalt  }
0x6f: {  	_ =	shalt  }
0x70: {  	_ =	shalt  }
0x71: {  	_ =	shalt  }
0x72: {  	_ =	shalt  }
0x73: {  	_ =	shalt  }
0x74: {  	_ =	shalt  }
0x75: {  	_ =	shalt  }
0x76: {  	_ =	shalt  }
0x77: {  	_ =	shalt  }
0x78: {  	_ =	shalt  }
0x79: {  	_ =	shalt  }
0x7a: {  	_ =	shalt  }
0x7b: {  	_ =	shalt  }
0x7c: {  	_ =	shalt  }
0x7d: {  	_ =	shalt  }
0x7e: {  	_ =	shalt  }
0x7f: {  	_ =	shalt  }
0x80: {  	_ =	shalt  }
0x81: {  	_ =	shalt  }
0x82: {  	_ =	shalt  }
0x83: {  	_ =	shalt  }
0x84: {  	_ =	shalt  }
0x85: {  	_ =	shalt  }
0x86: {  	_ =	shalt  }
0x87: {  	_ =	shalt  }
.Lfunc_end0:
.L_simem_size_0:
called_computation.1_lowered:
.L_overlay_start_0:
0x88: {  	s2 =	sld [smem:$0x3FD9]  }
0x89: {  	s3 =	sld [smem:$0x3FFE];
	_ =	sdelay $0x1  }
0x8a: {  	s1 =	srdreg.scid  }
0x8b: {  	s0 =	sand.u32 $0x1, s1  }
0x8c: {  	s14 =	sshll.u32 s0, $0xA;
	s2 =	sadd.s32 s3, s2  }
0x8d: {  	s2 =	sadd.s32 s2, s14  }
0x8e: {  	[smem:$0x3FBD] =	sst s2  }
0x8f: {  	_ = 	snop  }
0x90: {  	s2 =	sld [smem:$0x3FD0];
	_ =	sdelay $0x2  }
0x91: {  	s15 =	simm.s32 $0xA;
	s4 =	simm.s32 $0x10  }
0x92: {  	[smem:s4], [sflag:s15] =	dma.local [hbm:s2], $0x1  }
0x93: {  	_ =	swait.eq [sflag:s15], $0x1  }
0x94: {  	[sflag:s15] =	ssyncset.done $0x0  }
0x95: {  	[sflag:s15] =	ssyncadd.s32 $0xFFFFFFFF  }
0x96: {  	s16 =	sld [smem:$0x11];
	(tm) =	ssettm $0x1  }
0x97: {  	s17 =	sld [smem:$0x3FFB];
	_ =	sdelay $0x3  }
0x98: {  	_ =	strace s17  }
0x99: {  	s3 =	sld [smem:$0x3FFC];
	_ =	sdelay $0x3  }
0x9a: {  	_ =	strace s3  }
0x9b: {  	s3 =	sld [smem:$0x3FFD];
	_ =	sdelay $0x3  }
0x9c: {  	_ =	strace s3  }
0x9d: {  	_ =	strace $0x8FFFFFFF  }
0x9e: {  	s18 =	sld [smem:$0x3FDB];
	_ =	sdelay $0x1  }
0x9f: {  	s19 =	simm.s32 $_scs_section_size  }
0xa0: {  	s5 =	simm.s32 $_size__tile_overlayer_lowered;
	s6 =	simm.s32 $_tile_overlayer_lowered  }
0xa1: {  	s22 =	simm.s32 $0x1BFF;
	s21 =	sshll.u32 s6, $0x1;
	s3 =	sadd.s32 s19, s18  }
0xa2: {  	s7 =	simm.s32 $0x0;
	s20 =	sshll.u32 s5, $0x1;
	s5 =	sadd.s32 s21, s3  }
0xa3: {  	[timem:s7], [sflag:s22] =	dma.local [hbm:s5], s20  }
0xa4: {  	_ =	swait.ge [sflag:s22], s20  }
0xa5: {  	s4 =	ssub.s32 $0x0, s20;
	[sflag:s22] =	ssyncset.done $0x0  }
0xa6: {  	[sflag:s22] =	ssyncadd.s32 s4;
	_ =	sdelay $0x1  }
0xa7: {  	s23 =	simm.s32 $0x1B8B  }
0xa8: {  	_ =	swait.ge [sflag:s23], $0x1  }
0xa9: {  	[sflag:s23] =	ssyncset.done $0x0  }
0xaa: {  	s25 =	simm.s32 $0x1B8E;
	s24 =	sld [smem:$0x3FFE];
	[sflag:s23] =	ssyncadd.s32 $0xFFFFFFFF  }
0xab: {  	s26 =	simm.s32 $execute0_lowered;
	[smem:$0x3FD2] =	sst s25  }
0xac: {  	s5 =	sshll.u32 s26, $0x1;
	_ =	strace $0x80000049;
	[dreg:$0x1] =	wrdreg $0xFFFFFFFF  }
0xad: {  	s28 =	simm.s32 $_size_execute0_lowered;
	s3 =	sadd.s32 s3, s5;
	[dreg:$0x0] =	wrdreg $0x0  }
0xae: {  	s5 =	sshll.u32 s28, $0x1;
	[dreg:$0x2] =	wrdreg s3  }
0xaf: {  	[dreg:$0x3] =	wrdreg s5  }
0xb0: {  	[dreg:$0x4] =	wrdreg $0xC0  }
0xb1: {  	_ =	task [dreg:s7], $0x5FFFF  }
0xb2: {  	[dreg:$0x1] =	wrdreg $0xFFFFFFFF  }
0xb3: {  	[dreg:$0x0] =	wrdreg $0x60  }
0xb4: {  	[dreg:$0x2] =	wrdreg s24  }
0xb5: {  	[dreg:$0x3] =	wrdreg s16  }
0xb6: {  	[dreg:$0x4] =	wrdreg $0x9  }
0xb7: {  	_ =	task.clear_ibuf [dreg:s7], $0x5FFFF;
	_ =	strace $0x90000049  }
0xb8: {  	s29 =	simm.s32 $0x9;
	_ =	strace $0x8000004B  }
0xb9: {  	_ =	swait.ge [sflag:s29], $0x1  }
0xba: {  	[sflag:s29] =	ssyncadd.s32 $0xFFFFFFFF  }
0xbb: {  	_ =	strace $0x9000004B  }
0xbc: {  	_ =	sfence  }
0xbd: {  	s30 =	sld [smem:$0x0];
	_ =	sdelay $0x2  }
0xbe: {  	s31 =	sshll.u32 s1, $0xD;
	s1 =	sshrl.u32 s1, $0x2  }
0xbf: {  	s3 =	sand.u32 $0x4000, s31;
	s1 =	sadd.s32 s1, s30  }
0xc0: {  	s0 =	sor.u32 s3, s0;
	s1 =	sshll.u32 s1, $0x11  }
0xc1: {  	s0 =	sor.u32 s1, s0  }
0xc2: {  	s0 =	sadd.s32 $0x8F2B, s0  }
0xc3: {  	[sflag:s0] =	ssyncadd.remote.s32 $0x1  }
0xc4: {  	_ =	sfence.sel $0xFFFF  }
0xc5: {  	[dreg:$0x0] =	wrdreg $0xFFFFFFFF;
	(pc) =	sbr.abs _section_cstart, $3  }
0xc6: {  	[dreg:$0x1] =	wrdreg $0xFFFFFFFF  }
0xc7: {  	_ =	task.clear_ibuf [dreg:s7], $0x2FFFF;
	_ =	strace $0x9FFFFFFF  }
0xc8: {  	(tm) =	ssettm $0x7FFFFFFF  }
0xc9: {  	_ =	shalt  }
tec
execute0_lowered:
.L_overlay_start_1:
0x0: {  	(tag) =	ssettag $0x1  }
0x1: {  	s1 =	srdreg.scid;
	s2 =	rddreg [dreg:$0x0]  }
0x2: {  	s0 =	stileid.u32;
	s3 =	rddreg [dreg:$0x1]  }
0x3: {  	s6 =	simm.s32 $0x1;
	s9 =	simm.s32 $0x1;
	s1 =	sshll.u32 s1, $0x8  }
0x4: {  	s10 =	simm.s32 $0x3;
	s4 =	sshll.u32 s0, $0x9;
	s5 =	sand.u32 $0x100, s1  }
0x5: {  	s13 =	simm.s32 $0x0;
	s12 =	simm.s32 $0x0;
	s4 =	sor.u32 s4, s5  }
0x6: {  	s1 =	rddreg [dreg:$0x2];
	_ =	strace $0x8000004A;
	s8 =	ssub.s32 $0x2800, s4  }
.Ltmp0:
0x7: {  	s5 =	sadd.s32 $0x600, s2;
	s7 =	sand.u32 $0x1F00, s8;
	(pc) =	sbr.rel .LBB2_1-.Ltmp0, $4  }
0x8: {  	[sflag:s6] =	ssyncpa.u1 $0x0;
	s11 =	smov.u32 s4;
	p0 =	sne.s32 s7, $0x0  }
0x9: {  	s8 =	sshrl.u32 s8, $0xD;
	s7 =	simm.s32 $0x2;
	s9 =	simm.s32 @!p0 $0x0  }
0xa: {  	[sflag:s7] =	ssyncpa.u1 $0x0;
	p0 =	por $0x0, $0x0;
	s8 =	sadd.s32 s9, s8  }
0xb: {  	vm0 =	vmmov $0xffff;
	[sflag:s10] =	ssyncpa.u1 $0x0;
	s10 =	simm.s32 $0x0;
	s9 =	sadd.s32 $0x1, s8  }
.LBB2_4:
0xc: {  	v2 =	vnsel vm1, $0x0, v2  }
0xd: {  	vm1 =	vgt.s32 v0, $0x0;
	v2 =	vmin.u32 v2, $0x1FFF  }
0xe: {  	v0 =	vnsel vm1, $0x0, v0  }
0xf: {  	v0 =	vmin.u32 v0, $0x1FFF  }
0x10: {  	[tilespmem:s15], [sflag:$0x1] =	stream.indirect_vreg.gather [hbm4b:s5+s10], $0x1, v1, vm0, $0x4038;
	[tilespmem:$0x400] =	vst v63  }
0x11: {  	(ifvalue) =	ssetifvalue $0x7FFFFFFF  }
0x12: {  	[tilespmem:s16], [sflag:$0x1] =	stream.indirect_vreg.gather [hbm4b:s5+s10], $0x1, v2, vm0, $0x4038;
	[tilespmem:$0x400] =	vst v63  }
0x13: {  	s29 =	sadd.s32 $0x10, s16;
	(ifvalue) =	ssetifvalue $0x7FFFFFFF  }
0x14: {  	[tilespmem:s29], [sflag:$0x1] =	stream.indirect_vreg.gather [hbm4b:s5+s10], $0x1, v0, vm0, $0x4038;
	[tilespmem:$0x400] =	vst v63  }
0x15: {  	_ =	swait.ge [sflag:s6], $0x100  }
0x16: {  	s30 =	sshrl.u32 s13, $0x3;
	[sflag:s6] =	ssyncset.done $0x0  }
0x17: {  	s31 =	sand.u32 $0x7, s13;
	s15 =	sadd.s32 s2, s30;
	[sflag:s6] =	ssyncadd.s32 $0xFFFFFF00  }
0x18: {  	[hbm4b:s15+s31] =	stream.linear.scatter [tilespmem:s14], [sflag:$0x3], $0x100, $0x38;
	[tilespmem:$0x400] =	vst v63  }
.LBB2_5:
0x19: {  	s15 =	sadd.s32 $0x2000, s11  }
0x1a: {  	p2 =	sgt.s32 s15, $0x27FF  }
0x1b: {  	s15 =	smov.u32 @p2 s4;
	p2 =	sne.s32 s12, s9  }
.Ltmp1:
0x1c: {  	p1 =	slt.u32 s12, $0x2;
	(pc) =	sbr.rel @!p2 .LBB2_6-.Ltmp1, $4  }
0x1d: {  	s14 =	simm.s32 @!p1 $0x3  }
0x1e: {  	s16 =	sadd.s32 $0x1, s12;
	_ =	swait.ge @!p1 [sflag:s14], $0x100  }
0x1f: {  	s13 =	smov.u32 s11;
	p0 =	por !p0, !p0;
	[sflag:s14] =	ssyncset.done @!p1 $0x0  }
0x20: {  	s12 =	smov.u32 s16;
	s11 =	smov.u32 s15;
	[sflag:s14] =	ssyncadd.s32 @!p1 $0xFFFFFF00  }
.LBB2_1:
0x21: {  	p1 =	sge.u32 s12, s8  }
0x22: {  	s14 =	sxor.u32 @!p1 $0xFFFFFFFF, s12  }
0x23: {  	s31 =	sadd.s32 $0xFFFFFFFF, s12;
	s15 =	sshrl.u32 @!p1 s11, $0x3;
	s14 =	sshll.u32 @!p1 s14, $0x8  }
0x24: {  	s16 =	sand.u32 @!p1 $0x7, s11;
	s15 =	sadd.s32 @!p1 s3, s15;
	s14 =	sand.u32 @!p1 $0x100, s14  }
0x25: {  	[tilespmem:s14], [sflag:$0x2] =	stream.linear.gather @!p1 [hbm4b:s15+s16], $0x100, $0x38;
	[tilespmem:$0x400] =	vst v63  }
0x26: {  	p1 =	sge.u32 s31, s8  }
.Ltmp2:
0x27: {  	_ = 	snop;
	(pc) =	sbr.rel @p1 .LBB2_5-.Ltmp2, $1  }
0x28: {  	_ =	sdelay $0x3  }
0x29: {  	s14 =	simm.s32 $0x1  }
0x2a: {  	_ =	swait.ge [sflag:s7], $0x100;
	s14 =	simm.s32 @!p0 $0x0  }
0x2b: {  	[sflag:s7] =	ssyncset.done $0x0;
	s14 =	sshll.u32 s14, $0x8  }
0x2c: {  	[sflag:s7] =	ssyncadd.s32 $0xFFFFFF00;
	(ifvalue) =	ssetifvalue $0x7FFFFFFF;
	v0 =	vld.msk [tilespmem:s14+$0x0 ss:$0x1], $0xffff;
	_ =	sdelay $0x4  }
0x2d: {  	s15 =	sadd.s32 $0x10, s14;
	vm1 =	vgt.s32 v0, $0x0  }
0x2e: {  	v2 =	vld.msk [tilespmem:s15+$0x0 ss:$0x1], $0xffff;
	v1 =	vnsel vm1, $0x0, v0  }
0x2f: {  	v1 =	vmin.u32 v1, $0x1FFF;
	_ =	sdelay $0x1  }
0x30: {  	s16 =	sshll.u32 s12, $0x8;
	s18 =	simm.s32 $0x20  }
0x31: {  	s16 =	sand.u32 $0x100, s16;
	s17 =	sadd.s32 $0x10, s15;
	s15 =	sor.u32 $0x200, s14  }
0x32: {  	s14 =	sor.u32 $0x200, s16;
	s16 =	sadd.s32 $0x10, s15;
	v0 =	vld.msk [tilespmem:s17+$0x0 ss:$0x1], $0xffff;
	vm1 =	vgt.s32 v2, $0x0;
	(ifvalue) =	ssetifvalue $0x7FFFFFFF  }
.LBB2_3:
0x33: {  	[tilespmem:s15], [sflag:$0x1] =	stream.indirect_vreg.gather [hbm4b:s5+s10], $0x1, v1, vm0, $0x4038;
	[tilespmem:$0x400] =	vst v63  }
0x34: {  	s18 =	sadd.s32 $0x10, s18  }
0x35: {  	v2 =	vnsel vm1, $0x0, v2;
	p1 =	slt.u32 s18, $0xF0  }
.Ltmp3:
0x36: {  	s15 =	smov.u32 s16;
	v1 =	vmin.u32 v2, $0x1FFF;
	(pc) =	sbr.rel @p1 .LBB2_3-.Ltmp3, $3  }
0x37: {  	_ =	sdelay $0x1  }
0x38: {  	s17 =	sadd.s32 $0x10, s17  }
0x39: {  	vm1 =	vgt.s32 v0, $0x0;
	s16 =	sadd.s32 $0x10, s16;
	v2 =	vmov v0;
	(ifvalue) =	ssetifvalue $0x7FFFFFFF;
	v0 =	vld.msk [tilespmem:s17+$0x0 ss:$0x1], $0xffff  }
.Ltmp4:
0x3a: {  	_ = 	snop;
	(pc) =	sbr.rel .LBB2_4-.Ltmp4, $1  }
0x3b: {  	_ =	sdelay $0x3  }
.LBB2_6:
0x3c: {  	_ =	sfence.sel $0x180000  }
0x3d: {  	s2 =	simm.s32 $0x2;
	[bflag:$0x0] =	sbarrier.arrive $0xFFFF  }
0x3e: {  	s30 =	simm.s32 $0x3;
	[sflag:s2] =	ssyncpa.u1 $0x1  }
0x3f: {  	s31 =	simm.s32 $0x1;
	[sflag:s30] =	ssyncpa.u1 $0x1  }
0x40: {  	[sflag:s31] =	ssyncpa.u1 $0x1  }
0x41: {  	p0 =	sne.s32 s0, $0x0;
	_ =	strace $0x9000004A  }
0x42: {  	s0 =	sadd.s32 @!p0 $0x100000, s1;
	[bflag:$0x2] =	sbarrier.arrive $0xFFFF  }
0x43: {  	[sflag:s0] =	ssyncadd.tile.s32 @!p0 $0x1;
	_ =	shalt  }
.Lfunc_end2:
_tile_overlayer_lowered:
.L_overlay_start_2:
0x44: {  	(tag) =	ssettag $0x2  }
0x45: {  	s0 =	rddreg [dreg:$0x0];
	s2 =	stileid.u32  }
0x46: {  	s1 =	rddreg [dreg:$0x1];
	p0 =	sne.s32 s2, $0x0  }
0x47: {  	s3 =	rddreg [dreg:$0x2];
	[bflag:$0x3] =	sbarrier.arrive $0xFFFF;
	s2 =	simm.s32 @!p0 $0x1C01  }
0x48: {  	[timem:s3], [sflag:s2] =	dma.local @!p0 [hbm:s0], s1  }
0x49: {  	s0 =	simm.s32 @!p0 $0x1  }
0x4a: {  	_ =	swait.ge @!p0 [sflag:s0], s1  }
0x4b: {  	s1 =	ssub.s32 @!p0 $0x0, s1;
	[sflag:s0] =	ssyncset.done @!p0 $0x0  }
0x4c: {  	[sflag:s0] =	ssyncadd.s32 @!p0 s1  }
0x4d: {  	[bflag:$0x3] =	sbarrier.arrive $0xFFFF  }
0x4e: {  	_ =	shalt  }

// kernel: scatter_offload_async_start
scs
__scs_entry_jumppad:
0x0: {  	(pc) =	sbr.rel $0x88, $3  }
0x1: {  	(tag) =	ssettag $0x0;
	lr =	simm.s32 $0x1  }
0x2: {  	[smem:$0x3F96] =	sst lr;
	_ =	strace $0xD0000000  }
0x3: {  	_ = 	snop  }
0x4: {  	_ = 	snop  }
0x5: {  	_ = 	snop  }
0x6: {  	_ = 	snop  }
0x7: {  	_ = 	snop  }
__scs_overlays_trampoline_lowered:
0x8: {  	[smem:$0x3FA5] =	sst s0  }
0x9: {  	[smem:$0x3FA6] =	sst s1  }
0xa: {  	[smem:$0x3FA7] =	sst s2  }
0xb: {  	[smem:$0x3FA8] =	sst s3  }
0xc: {  	[smem:$0x3FA9] =	sst s4  }
0xd: {  	[smem:$0x3FAA] =	sst s5  }
0xe: {  	[smem:$0x3FAB] =	sst s6  }
0xf: {  	[smem:$0x3FAC] =	sst s7  }
0x10: {  	[smem:$0x3FAD] =	sst s8  }
0x11: {  	[smem:$0x3FAE] =	sst s9;
	s0 =	simm.s32 @!p0 $0x0  }
0x12: {  	s1 =	sld [smem:$0x3F94];
	s0 =	simm.s32 @p0 $0x1  }
0x13: {  	[smem:$0x3FAF] =	sst s0;
	s0 =	simm.s32 @!p1 $0x0  }
0x14: {  	s2 =	sld [smem:$0x3F93];
	s0 =	simm.s32 @p1 $0x1  }
0x15: {  	[smem:$0x3FB0] =	sst s0;
	s0 =	simm.s32 @!p2 $0x0  }
0x16: {  	s3 =	sld [smem:$0x3FDB];
	s0 =	simm.s32 @p2 $0x1  }
0x17: {  	s4 =	simm.s32 $0x1BF5;
	[smem:$0x3FB2] =	sst s0  }
0x18: {  	s0 =	sld [smem:$0x3F95];
	_ =	swait.ge [sflag:s4], $0x0  }
0x19: {  	s7 =	sld [smem:$0x3F96]  }
0x1a: {  	s8 =	sadd.s32 $0xFFFFE003, lr  }
0x1b: {  	s9 =	sadd.s32 $0xFFFFFEF7, lr;
	s5 =	simm.s32 $0xFFFFFFFF;
	p2 =	slt.u32 s8, $0xFFFFF086  }
0x1c: {  	p1 =	slt.u32 s9, $0xF7A;
	s5 =	simm.s32 @!p2 $0x0  }
0x1d: {  	s5 =	simm.s32 @p1 $0x1;
	p0 =	seq.s32 s7, s2  }
0x1e: {  	s7 =	smul.u32 @!p0 $0xF7A, s2;
	p2 =	seq.s32 @!p0 s5, $0x0  }
0x1f: {  	s9 =	smul.u32 $0xF7A, s1;
	s8 =	simm.s32 @!p0 $0x1BF5;
	p2 =	por !p2, p0  }
0x20: {  	[sflag:s8] =	ssyncset.s32 @!p0 $0xFFFFF086;
	s6 =	sadd.s32 @!p0 s3, s7;
	s7 =	simm.s32 @!p0 $0x108  }
0x21: {  	s3 =	sadd.s32 s3, s9;
	s6 =	sadd.s32 @!p0 $0x88, s6;
	s7 =	simm.s32 @p2 $0x1082  }
0x22: {  	[simem:s7], [sflag:s8] =	dma.local @!p0 [hbm:s6], $0xF7A  }
0x23: {  	s9 =	sor.u32 $0xD0000000, s2;
	s6 =	simm.s32 $0x108;
	_ =	swait.ge @!p0 [sflag:s8], $0x0  }
0x24: {  	s3 =	sadd.s32 $0x88, s3;
	s6 =	simm.s32 @!p1 $0x1082;
	[sflag:s4] =	ssyncset.s32 $0xFFFFF086  }
0x25: {  	[simem:s6], [sflag:s4] =	dma.local [hbm:s3], $0xF7A  }
0x26: {  	[smem:$0x3F96] =	sst s1;
	(tag) =	ssettag s2;
	_ =	strace s9  }
0x27: {  	s1 =	sld [smem:$0x3FA6]  }
0x28: {  	s2 =	sld [smem:$0x3FA7]  }
0x29: {  	s4 =	sld [smem:$0x3FA9]  }
0x2a: {  	p0 =	seq.s32 s5, $0x0;
	s5 =	sld [smem:$0x3FAA]  }
0x2b: {  	s6 =	sld [smem:$0x3FAB]  }
0x2c: {  	s7 =	sld [smem:$0x3FAC]  }
0x2d: {  	s3 =	simm.s32 $0x108;
	s8 =	sld [smem:$0x3FAD]  }
0x2e: {  	s3 =	simm.s32 @!p0 $0x1082;
	s9 =	sld [smem:$0x3FAE]  }
0x2f: {  	lr =	sadd.s32 s0, s3;
	s0 =	sld [smem:$0x3FA5]  }
0x30: {  	s3 =	sld [smem:$0x3FA8]  }
0x31: {  	[smem:$0x3FB1] =	sst s10  }
0x32: {  	s10 =	sld [smem:$0x3FAF];
	_ =	sdelay $0x3  }
0x33: {  	p0 =	seq.s32 s10, $0x1;
	s10 =	sld [smem:$0x3FB1];
	_ =	sdelay $0x3  }
0x34: {  	[smem:$0x3FB1] =	sst s10  }
0x35: {  	s10 =	sld [smem:$0x3FB0];
	_ =	sdelay $0x3  }
0x36: {  	p1 =	seq.s32 s10, $0x1;
	s10 =	sld [smem:$0x3FB1];
	_ =	sdelay $0x3  }
0x37: {  	[smem:$0x3FB1] =	sst s10  }
0x38: {  	s10 =	sld [smem:$0x3FB2]  }
0x39: {  	_ = 	snop;
	(pc) =	sbr.ind lr, $3  }
0x3a: {  	_ = 	snop  }
0x3b: {  	_ = 	snop  }
0x3c: {  	p2 =	seq.s32 s10, $0x1;
	s10 =	sld [smem:$0x3FB1]  }
0x3d: {  	_ =	shalt  }
0x3e: {  	_ =	shalt  }
0x3f: {  	_ =	shalt  }
0x40: {  	_ =	shalt  }
0x41: {  	_ =	shalt  }
0x42: {  	_ =	shalt  }
0x43: {  	_ =	shalt  }
0x44: {  	_ =	shalt  }
0x45: {  	_ =	shalt  }
0x46: {  	_ =	shalt  }
0x47: {  	_ =	shalt  }
0x48: {  	_ =	shalt  }
0x49: {  	_ =	shalt  }
0x4a: {  	_ =	shalt  }
0x4b: {  	_ =	shalt  }
0x4c: {  	_ =	shalt  }
0x4d: {  	_ =	shalt  }
0x4e: {  	_ =	shalt  }
0x4f: {  	_ =	shalt  }
0x50: {  	_ =	shalt  }
0x51: {  	_ =	shalt  }
0x52: {  	_ =	shalt  }
0x53: {  	_ =	shalt  }
0x54: {  	_ =	shalt  }
0x55: {  	_ =	shalt  }
0x56: {  	_ =	shalt  }
0x57: {  	_ =	shalt  }
0x58: {  	_ =	shalt  }
0x59: {  	_ =	shalt  }
0x5a: {  	_ =	shalt  }
0x5b: {  	_ =	shalt  }
0x5c: {  	_ =	shalt  }
0x5d: {  	_ =	shalt  }
0x5e: {  	_ =	shalt  }
0x5f: {  	_ =	shalt  }
0x60: {  	_ =	shalt  }
0x61: {  	_ =	shalt  }
0x62: {  	_ =	shalt  }
0x63: {  	_ =	shalt  }
0x64: {  	_ =	shalt  }
0x65: {  	_ =	shalt  }
0x66: {  	_ =	shalt  }
0x67: {  	_ =	shalt  }
0x68: {  	_ =	shalt  }
0x69: {  	_ =	shalt  }
0x6a: {  	_ =	shalt  }
0x6b: {  	_ =	shalt  }
0x6c: {  	_ =	shalt  }
0x6d: {  	_ =	shalt  }
0x6e: {  	_ =	shalt  }
0x6f: {  	_ =	shalt  }
0x70: {  	_ =	shalt  }
0x71: {  	_ =	shalt  }
0x72: {  	_ =	shalt  }
0x73: {  	_ =	shalt  }
0x74: {  	_ =	shalt  }
0x75: {  	_ =	shalt  }
0x76: {  	_ =	shalt  }
0x77: {  	_ =	shalt  }
0x78: {  	_ =	shalt  }
0x79: {  	_ =	shalt  }
0x7a: {  	_ =	shalt  }
0x7b: {  	_ =	shalt  }
0x7c: {  	_ =	shalt  }
0x7d: {  	_ =	shalt  }
0x7e: {  	_ =	shalt  }
0x7f: {  	_ =	shalt  }
0x80: {  	_ =	shalt  }
0x81: {  	_ =	shalt  }
0x82: {  	_ =	shalt  }
0x83: {  	_ =	shalt  }
0x84: {  	_ =	shalt  }
0x85: {  	_ =	shalt  }
0x86: {  	_ =	shalt  }
0x87: {  	_ =	shalt  }
.Lfunc_end0:
.L_simem_size_0:
called_computation_lowered:
.L_overlay_start_0:
0x88: {  	s0 =	sld [smem:$0x3FD9]  }
0x89: {  	s1 =	sld [smem:$0x3FFE];
	_ =	sdelay $0x3  }
0x8a: {  	s0 =	sadd.s32 s1, s0  }
0x8b: {  	[smem:$0x3FBD] =	sst s0  }
0x8c: {  	_ = 	snop  }
0x8d: {  	s0 =	sld [smem:$0x3FD0];
	_ =	sdelay $0x2  }
0x8e: {  	s14 =	simm.s32 $0xA;
	s2 =	simm.s32 $0x10  }
0x8f: {  	[smem:s2], [sflag:s14] =	dma.local [hbm:s0], $0x1  }
0x90: {  	_ =	swait.eq [sflag:s14], $0x1  }
0x91: {  	s15 =	sld [smem:$0x10];
	[sflag:s14] =	ssyncset.done $0x0  }
0x92: {  	s16 =	sld [smem:$0x11];
	[sflag:s14] =	ssyncadd.s32 $0xFFFFFFFF  }
0x93: {  	s17 =	sld [smem:$0x12];
	(tm) =	ssettm $0x1  }
0x94: {  	s3 =	sld [smem:$0x3FFB];
	_ =	sdelay $0x3  }
0x95: {  	_ =	strace s3  }
0x96: {  	s3 =	sld [smem:$0x3FFC];
	_ =	sdelay $0x3  }
0x97: {  	_ =	strace s3  }
0x98: {  	s3 =	sld [smem:$0x3FFD];
	_ =	sdelay $0x3  }
0x99: {  	_ =	strace s3  }
0x9a: {  	_ =	strace $0x8FFFFFFF  }
0x9b: {  	s18 =	sld [smem:$0x3FDB];
	_ =	sdelay $0x1  }
0x9c: {  	s4 =	simm.s32 $_scs_section_size  }
0x9d: {  	s5 =	simm.s32 $_size__tile_overlayer_lowered;
	s6 =	simm.s32 $_tile_overlayer_lowered  }
0x9e: {  	s21 =	simm.s32 $0x1BFF;
	s20 =	sshll.u32 s6, $0x1;
	s3 =	sadd.s32 s4, s18  }
0x9f: {  	s7 =	simm.s32 $0x0;
	s19 =	sshll.u32 s5, $0x1;
	s5 =	sadd.s32 s20, s3  }
0xa0: {  	[timem:s7], [sflag:s21] =	dma.local [hbm:s5], s19  }
0xa1: {  	_ =	swait.ge [sflag:s21], s19  }
0xa2: {  	s4 =	ssub.s32 $0x0, s19;
	[sflag:s21] =	ssyncset.done $0x0  }
0xa3: {  	[sflag:s21] =	ssyncadd.s32 s4;
	_ =	sdelay $0x1  }
0xa4: {  	s22 =	simm.s32 $0x1B8B  }
0xa5: {  	_ =	swait.ge [sflag:s22], $0x1  }
0xa6: {  	[sflag:s22] =	ssyncset.done $0x0  }
0xa7: {  	s23 =	simm.s32 $0x1B8E;
	[sflag:s22] =	ssyncadd.s32 $0xFFFFFFFF  }
0xa8: {  	s24 =	simm.s32 $execute0_lowered;
	[smem:$0x3FD2] =	sst s23  }
0xa9: {  	s4 =	sshll.u32 s24, $0x1;
	_ =	strace $0x80000046;
	[dreg:$0x1] =	wrdreg $0xFFFFFFFF  }
0xaa: {  	s25 =	simm.s32 $_size_execute0_lowered;
	s3 =	sadd.s32 s3, s4;
	[dreg:$0x0] =	wrdreg $0x0  }
0xab: {  	s4 =	sshll.u32 s25, $0x1;
	[dreg:$0x2] =	wrdreg s3  }
0xac: {  	[dreg:$0x3] =	wrdreg s4  }
0xad: {  	[dreg:$0x4] =	wrdreg $0xC0  }
0xae: {  	_ =	task [dreg:s7], $0x5FFFF  }
0xaf: {  	[dreg:$0x1] =	wrdreg $0xFFFFFFFF  }
0xb0: {  	[dreg:$0x0] =	wrdreg $0x60  }
0xb1: {  	[dreg:$0x2] =	wrdreg s15  }
0xb2: {  	[dreg:$0x3] =	wrdreg s17  }
0xb3: {  	[dreg:$0x4] =	wrdreg s16  }
0xb4: {  	[dreg:$0x5] =	wrdreg $0x9  }
0xb5: {  	_ =	task.clear_ibuf [dreg:s7], $0x6FFFF;
	_ =	strace $0x90000046  }
0xb6: {  	s26 =	simm.s32 $0x9;
	_ =	strace $0x80000048  }
0xb7: {  	_ =	swait.ge [sflag:s26], $0x1  }
0xb8: {  	[sflag:s26] =	ssyncadd.s32 $0xFFFFFFFF  }
0xb9: {  	_ =	strace $0x90000048  }
0xba: {  	_ =	sfence  }
0xbb: {  	s28 =	sld [smem:$0x0];
	_ =	sdelay $0x1  }
0xbc: {  	s29 =	srdreg.scid  }
0xbd: {  	s30 =	sshll.u32 s29, $0xD;
	s31 =	sshrl.u32 s29, $0x2  }
0xbe: {  	s1 =	sand.u32 $0x1, s29;
	s2 =	sand.u32 $0x4000, s30;
	s0 =	sadd.s32 s31, s28  }
0xbf: {  	s1 =	sor.u32 s2, s1;
	s0 =	sshll.u32 s0, $0x11  }
0xc0: {  	s0 =	sor.u32 s0, s1  }
0xc1: {  	s0 =	sadd.s32 $0x8F2B, s0  }
0xc2: {  	[sflag:s0] =	ssyncadd.remote.s32 $0x1  }
0xc3: {  	_ =	sfence.sel $0xFFFF  }
0xc4: {  	[dreg:$0x0] =	wrdreg $0xFFFFFFFF;
	(pc) =	sbr.abs _section_cstart, $3  }
0xc5: {  	[dreg:$0x1] =	wrdreg $0xFFFFFFFF  }
0xc6: {  	_ =	task.clear_ibuf [dreg:s7], $0x2FFFF;
	_ =	strace $0x9FFFFFFF  }
0xc7: {  	(tm) =	ssettm $0x7FFFFFFF  }
tec
execute0_lowered:
.L_overlay_start_1:
0x0: {  	(tag) =	ssettag $0x1  }
0x1: {  	s1 =	rddreg [dreg:$0x0]  }
0x2: {  	s2 =	rddreg [dreg:$0x1]  }
0x3: {  	s3 =	rddreg [dreg:$0x2]  }
0x4: {  	s0 =	rddreg [dreg:$0x3];
	s4 =	stileid.u32  }
0x5: {  	_ =	strace $0x80000047;
	s5 =	simm.s32 $0x3E;
	p0 =	sne.s32 s4, $0x0  }
0x6: {  	[sflag:s5] =	ssyncpa.u1 $0x0;
	s6 =	simm.s32 @!p0 $0x1C3E;
	s7 =	simm.s32 @!p0 $0x0  }
0x7: {  	[spmem:s7], [sflag:s6] =	dma.local @!p0 [hbm:s1], $0x10  }
0x8: {  	s6 =	simm.s32 @!p0 $0x3E  }
0x9: {  	_ =	swait.ge @!p0 [sflag:s6], $0x10  }
0xa: {  	[sflag:s6] =	ssyncset.done @!p0 $0x0  }
0xb: {  	[sflag:s6] =	ssyncadd.s32 @!p0 $0xFFFFFFF0  }
0xc: {  	s28 =	simm.s32 $0x1;
	[bflag:$0x0] =	sbarrier.arrive $0xFFFF  }
0xd: {  	s29 =	simm.s32 $0x2;
	s4 =	sshll.u32 s4, $0x6;
	[sflag:s5] =	ssyncpa.u1 $0x1  }
0xe: {  	s31 =	simm.s32 $0x208;
	s30 =	sadd.s32 s2, s4;
	[sflag:s28] =	ssyncpa.u1 $0x0  }
0xf: {  	s2 =	simm.s32 $0x0;
	(ifvalue) =	ssetifvalue $0x80;
	[sflag:s29] =	ssyncpa.u1 $0x0  }
0x10: {  	[tilespmem:s31], [sflag:$0x2] =	stream.linear.gather [hbm4b:s30+s2], $0x200, $0x38;
	[tilespmem:$0x808] =	vst v63  }
0x11: {  	s4 =	sadd.s32 s3, s4;
	s3 =	simm.s32 $0x608  }
0x12: {  	[tilespmem:s3], [sflag:$0x2] =	stream.linear.gather [hbm4b:s4+s2], $0x200, $0x38;
	[tilespmem:$0x808] =	vst v63  }
0x13: {  	_ =	swait.ge [sflag:s29], $0x400  }
0x14: {  	[sflag:s29] =	ssyncset.done $0x0  }
0x15: {  	[sflag:s29] =	ssyncadd.s32 $0xFFFFFC00  }
0x16: {  	v0 =	vld.msk [tilespmem:s31+$0x0 ss:$0x1], $0xffff;
	_ =	sdelay $0x4  }
0x17: {  	v0 =	vmin.u32 v0, $0x80;
	_ =	sdelay $0x3  }
0x18: {  	vm0 =	vmmov $0xffff;
	s5 =	simm.s32 $0x218;
	s4 =	simm.s32 $0x0  }
0x19: {  	[spmem:s2] =	stream.indirect_vreg.scatter.add.s32 [tilespmem:s3], [sflag:$0x1], $0x1, v0, vm0, $0x4038;
	[tilespmem:$0x808] =	vst v63  }
.LBB2_1:
0x1a: {  	v0 =	vld.msk [tilespmem:s5+$0x0 ss:$0x1], $0xffff;
	s4 =	sadd.s32 $0x10, s4  }
0x1b: {  	p1 =	slt.u32 s4, $0x1F0;
	_ =	sdelay $0x4  }
0x1c: {  	v0 =	vmin.u32 v0, $0x80  }
.Ltmp0:
0x1d: {  	(pc) =	sbr.rel @p1 .LBB2_1-.Ltmp0, $3  }
0x1e: {  	_ =	sdelay $0x1  }
0x1f: {  	s5 =	sadd.s32 $0x10, s5;
	s3 =	sadd.s32 $0x10, s3  }
0x20: {  	[spmem:s2] =	stream.indirect_vreg.scatter.add.s32 [tilespmem:s3], [sflag:$0x1], $0x1, v0, vm0, $0x4038;
	[tilespmem:$0x808] =	vst v63  }
0x21: {  	s2 =	simm.s32 $0x1  }
0x22: {  	_ =	swait.ge [sflag:s2], $0x200  }
0x23: {  	[sflag:s2] =	ssyncset.done $0x0  }
0x24: {  	[sflag:s2] =	ssyncadd.s32 $0xFFFFFE00  }
0x25: {  	_ =	sfence.sel $0x180000  }
0x26: {  	s3 =	simm.s32 $0x2;
	[bflag:$0x0] =	sbarrier.arrive $0xFFFF  }
0x27: {  	[sflag:s3] =	ssyncpa.u1 $0x1  }
0x28: {  	[sflag:s2] =	ssyncpa.u1 $0x1  }
0x29: {  	_ =	sfence.stream.spmem  }
0x2a: {  	s31 =	simm.s32 $0x3D;
	[bflag:$0x0] =	sbarrier.arrive $0xFFFF  }
0x2b: {  	s2 =	simm.s32 @p0 $0x3D;
	[sflag:s31] =	ssyncpa.u1 $0x0  }
0x2c: {  	[sflag:s2] =	ssyncpa.u1 @p0 $0x1  }
0x2d: {  	[bflag:$0x0] =	sbarrier.arrive @p0 $0xFFFF  }
0x2e: {  	_ =	strace @p0 $0x90000047  }
0x2f: {  	s3 =	simm.s32 @!p0 $0x1C3D;
	s2 =	simm.s32 @!p0 $0x0;
	[bflag:$0x2] =	sbarrier.arrive @p0 $0xFFFF  }
0x30: {  	[hbm:s1], [sflag:s3] =	dma.local @!p0 [spmem:s2], $0x10  }
0x31: {  	s1 =	simm.s32 @!p0 $0x3D  }
0x32: {  	_ =	swait.ge @!p0 [sflag:s1], $0x10  }
0x33: {  	[sflag:s1] =	ssyncset.done @!p0 $0x0  }
0x34: {  	[sflag:s1] =	ssyncadd.s32 @!p0 $0xFFFFFFF0  }
0x35: {  	[sflag:s1] =	ssyncpa.u1 @!p0 $0x1  }
0x36: {  	[bflag:$0x0] =	sbarrier.arrive @!p0 $0xFFFF  }
0x37: {  	_ =	strace @!p0 $0x90000047  }
0x38: {  	s0 =	sadd.s32 @!p0 $0x100000, s0;
	[bflag:$0x2] =	sbarrier.arrive @!p0 $0xFFFF  }
0x39: {  	[sflag:s0] =	ssyncadd.tile.s32 @!p0 $0x1;
	_ =	shalt  }
.Lfunc_end2:
_tile_overlayer_lowered:
.L_overlay_start_2:
0x3a: {  	(tag) =	ssettag $0x2  }
0x3b: {  	s0 =	rddreg [dreg:$0x0];
	s2 =	stileid.u32  }
0x3c: {  	s1 =	rddreg [dreg:$0x1];
	p0 =	sne.s32 s2, $0x0  }
0x3d: {  	s3 =	rddreg [dreg:$0x2];
	[bflag:$0x3] =	sbarrier.arrive $0xFFFF;
	s2 =	simm.s32 @!p0 $0x1C01  }
0x3e: {  	[timem:s3], [sflag:s2] =	dma.local @!p0 [hbm:s0], s1  }
0x3f: {  	s0 =	simm.s32 @!p0 $0x1  }
0x40: {  	_ =	swait.ge @!p0 [sflag:s0], s1  }
0x41: {  	s1 =	ssub.s32 @!p0 $0x0, s1;
	[sflag:s0] =	ssyncset.done @!p0 $0x0  }
0x42: {  	[sflag:s0] =	ssyncadd.s32 @!p0 s1  }
0x43: {  	[bflag:$0x3] =	sbarrier.arrive $0xFFFF  }
0x44: {  	_ =	shalt  }

</sc_bundles>
